<compile_context>
chip_gen: v7x
topology: tpu7x:2x2x1
jax: 0.10.2.dev20260603
libtpu: 0.0.44.dev20260713+nightly
codegen_flags: <defaults>
</compile_context>

<pallas_src>
import numpy as np

import jax
import jax.numpy as jnp
from jax.experimental import pallas as pl
from jax.experimental.pallas import tpu as pltpu

P = 8


def _selector(p: int) -> np.ndarray:
    d = 9 * p + 1
    sel = np.zeros((d, 10 * p), np.float32)
    for e in range(p):
        for k in range(4):
            sel[e * 4 + k, e * 10 + k] = 1.0
            sel[4 * p + e * 4 + k, e * 10 + 4 + k] = 1.0
        sel[8 * p + e, e * 10 + 8] = 1.0
        sel[9 * p, e * 10 + 9] = 1.0
    return sel


def _make_stats_body(nblk: int, n_edges: float, p: int):
    def body(sp_ref, dp_ref, ap_ref, w_ref, b_ref, gm_ref, bt_ref, sel_ref,
             kp_ref, o_ref, q_ref):
        i = pl.program_id(0)
        sp = sp_ref[...]
        dp = dp_ref[...]
        ap = ap_ref[...]
        ones = jnp.ones((sp.shape[0], 1), jnp.float32)
        z = jnp.concatenate([sp, dp, ap, ones], axis=1)
        q = jax.lax.dot_general(
            z, z, (((0,), (0,)), ((), ())), preferred_element_type=jnp.float32)

        @pl.when(i == 0)
        def _init():
            q_ref[...] = q

        @pl.when(i != 0)
        def _acc():
            q_ref[...] += q

        @pl.when(i == nblk - 1)
        def _finish():
            qf = q_ref[...]
            g = jnp.zeros((10, 10), jnp.float32)
            for e in range(p):
                ce = sel_ref[:, e * 10:(e + 1) * 10]
                a = jnp.dot(qf, ce, preferred_element_type=jnp.float32)
                g = g + jax.lax.dot_general(
                    ce, a, (((0,), (0,)), ((), ())),
                    preferred_element_type=jnp.float32)
            Wm = w_ref[...]
            bb = b_ref[...]
            G9 = g[0:9, 0:9]
            csum = g[9:10, 0:9]
            cW = jnp.dot(csum, Wm, preferred_element_type=jnp.float32)
            GW = jnp.dot(G9, Wm, preferred_element_type=jnp.float32)
            sumsq = (jnp.sum(Wm * GW, axis=0, keepdims=True)
                     + 2.0 * bb * cW + n_edges * bb * bb)
            mean = (cW + n_edges * bb) / n_edges
            var = sumsq / n_edges - mean * mean
            scale = gm_ref[...] * jax.lax.rsqrt(var + 1e-5)
            bf = (bb - mean) * scale + bt_ref[...]
            kp = kp_ref[...]
            o_ref[0:1, :] = jnp.dot(scale, kp,
                                    preferred_element_type=jnp.float32)
            o_ref[1:2, :] = jnp.dot(bf, kp,
                                    preferred_element_type=jnp.float32)

    return body


def _main_body(sb_ref, ws_ref, wd_ref, wa_ref, sp_ref, dp_ref, ap_ref, o_ref):
    acc = jnp.dot(sp_ref[...], ws_ref[...],
                  preferred_element_type=jnp.float32)
    acc += jnp.dot(dp_ref[...], wd_ref[...],
                   preferred_element_type=jnp.float32)
    acc += jnp.dot(ap_ref[...], wa_ref[...],
                   preferred_element_type=jnp.float32)
    o_ref[...] = acc * sb_ref[0:1, :] + sb_ref[1:2, :]


def kernel(src, dest, edge_attr, W, b, gamma, beta):
    E = src.shape[0]
    R = E // P
    D = 9 * P + 1
    BRS = 4000
    BRM = 2000
    nblk_s = R // BRS
    nblk_m = R // BRM

    sp = src.reshape(R, 4 * P)
    dp = dest.reshape(R, 4 * P)
    ap = edge_attr.reshape(R, P)

    eye = jnp.eye(P, dtype=jnp.float32)
    ws = jnp.kron(eye, W[0:4, :])
    wd = jnp.kron(eye, W[4:8, :])
    wa = jnp.kron(eye, W[8:9, :])
    kp = jnp.kron(jnp.ones((1, P), jnp.float32), jnp.eye(84, dtype=jnp.float32))
    sel = jnp.asarray(_selector(P))
    b2 = b.reshape(1, 84)
    gm2 = gamma.reshape(1, 84)
    bt2 = beta.reshape(1, 84)

    const = lambda i: (0, 0)
    row = lambda i: (i, 0)

    sb = pl.pallas_call(
        _make_stats_body(nblk_s, float(E), P),
        grid=(nblk_s,),
        in_specs=[
            pl.BlockSpec((BRS, 4 * P), row),
            pl.BlockSpec((BRS, 4 * P), row),
            pl.BlockSpec((BRS, P), row),
            pl.BlockSpec((9, 84), const),
            pl.BlockSpec((1, 84), const),
            pl.BlockSpec((1, 84), const),
            pl.BlockSpec((1, 84), const),
            pl.BlockSpec((D, 10 * P), const),
            pl.BlockSpec((84, 84 * P), const),
        ],
        out_specs=pl.BlockSpec((2, 84 * P), const),
        out_shape=jax.ShapeDtypeStruct((2, 84 * P), jnp.float32),
        scratch_shapes=[pltpu.VMEM((D, D), jnp.float32)],
    )(sp, dp, ap, W, b2, gm2, bt2, sel, kp)

    out2 = pl.pallas_call(
        _main_body,
        grid=(nblk_m,),
        in_specs=[
            pl.BlockSpec((2, 84 * P), const),
            pl.BlockSpec((4 * P, 84 * P), const),
            pl.BlockSpec((4 * P, 84 * P), const),
            pl.BlockSpec((P, 84 * P), const),
            pl.BlockSpec((BRM, 4 * P), row),
            pl.BlockSpec((BRM, 4 * P), row),
            pl.BlockSpec((BRM, P), row),
        ],
        out_specs=pl.BlockSpec((BRM, 84 * P), row),
        out_shape=jax.ShapeDtypeStruct((R, 84 * P), jnp.float32),
    )(sb, ws, wd, wa, sp, dp, ap)
    return out2.reshape(E, 84)

# --- scband reference (transcript-rebuilt; emitter-appended) ---
"""Pipeline reference for scband-edge-model-1-23630910063280 (READ-ONLY COPY).

The authoritative reference and input builder live on the scoring server;
editing this copy changes nothing except your own understanding.
"""

import jax, jax.numpy as jnp
import numpy as np

E = 640000

def setup_inputs(seed: int = 0) -> dict:
    key = jax.random.key(seed)
    k1, k2, k3, k4 = jax.random.split(key, 4)
    src = jax.random.normal(k1, (E, 4), dtype=jnp.float32)
    dest = jax.random.normal(k2, (E, 4), dtype=jnp.float32)
    edge_attr = jax.random.normal(k3, (E, 1), dtype=jnp.float32)
    # Linear(9 -> 84) weights (the edge MLP inside the conv), BN params
    W = jax.random.normal(k4, (9, 84), dtype=jnp.float32) * (1.0 / np.sqrt(9.0))
    b = jnp.zeros((84,), dtype=jnp.float32)
    gamma = jnp.ones((84,), dtype=jnp.float32)
    beta = jnp.zeros((84,), dtype=jnp.float32)
    return {"src": src, "dest": dest, "edge_attr": edge_attr, "W": W, "b": b, "gamma": gamma, "beta": beta}

def reference(src, dest, edge_attr, W, b, gamma, beta):
    # EdgeModel forward: concat per-edge [src || dest || edge_attr] -> linear edge transform -> BatchNorm1d (training-mode batch stats)
    out = jnp.concatenate([src, dest, edge_attr], axis=1)  # [E, 9]
    out = out @ W + b  # [E, 84]
    mean = jnp.mean(out, axis=0)
    var = jnp.var(out, axis=0)
    out = (out - mean) / jnp.sqrt(var + 1e-5) * gamma + beta
    return out

if __name__ == "__main__":
    import jax
    _d = setup_inputs()
    print(jax.jit(kernel)(*tuple(_d.values())))

</pallas_src>

<mosaic_0001>
module attributes {stable_mosaic.version = 14 : i64} {
  func.func @body(%arg0: i32, %arg1: memref<4000x32xf32, #tpu.memory_space<vmem>>, %arg2: memref<4000x32xf32, #tpu.memory_space<vmem>>, %arg3: memref<4000x8xf32, #tpu.memory_space<vmem>>, %arg4: memref<9x84xf32, #tpu.memory_space<vmem>>, %arg5: memref<1x84xf32, #tpu.memory_space<vmem>>, %arg6: memref<1x84xf32, #tpu.memory_space<vmem>>, %arg7: memref<1x84xf32, #tpu.memory_space<vmem>>, %arg8: memref<73x80xf32, #tpu.memory_space<vmem>>, %arg9: memref<84x672xf32, #tpu.memory_space<vmem>>, %arg10: memref<2x672xf32, #tpu.memory_space<vmem>>, %arg11: memref<73x73xf32, #tpu.memory_space<vmem>>) attributes {dimension_semantics = [#tpu.dimension_semantics<arbitrary>], iteration_bounds = array<i64: 20>, scalar_prefetch = 0 : i64, scratch_operands = 1 : i64, tpu.core_type = #tpu.core_type<tc>, window_params = [{transform_indices = @transform_0, window_bounds = array<i64: 4000, 32>}, {transform_indices = @transform_1, window_bounds = array<i64: 4000, 32>}, {transform_indices = @transform_2, window_bounds = array<i64: 4000, 8>}, {pipeline_mode = #tpu.pipeline_mode<synchronous>, transform_indices = @transform_3, window_bounds = array<i64: 9, 84>}, {pipeline_mode = #tpu.pipeline_mode<synchronous>, transform_indices = @transform_4, window_bounds = array<i64: 1, 84>}, {pipeline_mode = #tpu.pipeline_mode<synchronous>, transform_indices = @transform_5, window_bounds = array<i64: 1, 84>}, {pipeline_mode = #tpu.pipeline_mode<synchronous>, transform_indices = @transform_6, window_bounds = array<i64: 1, 84>}, {pipeline_mode = #tpu.pipeline_mode<synchronous>, transform_indices = @transform_7, window_bounds = array<i64: 73, 80>}, {pipeline_mode = #tpu.pipeline_mode<synchronous>, transform_indices = @transform_8, window_bounds = array<i64: 84, 672>}, {pipeline_mode = #tpu.pipeline_mode<synchronous>, transform_indices = @transform_9, window_bounds = array<i64: 2, 672>}]} {
    %get3A = arith.constant 0 : index
    %get3A_0 = arith.constant 0 : index
    %get3A_1 = vector.load %arg1[%get3A, %get3A_0] : memref<4000x32xf32, #tpu.memory_space<vmem>>, vector<4000x32xf32>
    %get3A_2 = arith.constant 0 : index
    %get3A_3 = arith.constant 0 : index
    %get3A_4 = vector.load %arg2[%get3A_2, %get3A_3] : memref<4000x32xf32, #tpu.memory_space<vmem>>, vector<4000x32xf32>
    %get3A_5 = arith.constant 0 : index
    %get3A_6 = arith.constant 0 : index
    %get3A_7 = vector.load %arg3[%get3A_5, %get3A_6] : memref<4000x8xf32, #tpu.memory_space<vmem>>, vector<4000x8xf32>
    %broadcast_in_dim3A = arith.constant 1.000000e+00 : f32
    %broadcast_in_dim3A_8 = vector.broadcast %broadcast_in_dim3A : f32 to vector<4000x1xf32>
    %concatenate3A = tpu.concatenate %get3A_1, %get3A_4, %get3A_7, %broadcast_in_dim3A_8 in 1 : vector<4000x32xf32>, vector<4000x32xf32>, vector<4000x8xf32>, vector<4000x1xf32> -> vector<4000x73xf32>
    %dot_general3A = arith.constant dense<0.000000e+00> : vector<73x73xf32>
    %dot_general3A_9 = tpu.matmul %concatenate3A, %concatenate3A, %dot_general3A {dimension_numbers = #tpu.dot_dimension_numbers<[0], [0], [1], [1], [0, 1, 1, 1], [], []>, transpose_lhs_hint = false} : vector<4000x73xf32>, vector<4000x73xf32>, vector<73x73xf32> -> vector<73x73xf32>
    %eq3A = arith.constant 0 : i32
    %eq3A_10 = arith.cmpi eq, %arg0, %eq3A : i32
    %convert_element_type3A = arith.extui %eq3A_10 : i1 to i32
    %cond3A = arith.constant 0 : i32
    %cond3A_11 = arith.cmpi ne, %convert_element_type3A, %cond3A : i32
    scf.if %cond3A_11 {
      %swap3A = arith.constant 0 : index
      %swap3A_21 = arith.constant 0 : index
      %swap3A_22 = vector.load %arg11[%swap3A, %swap3A_21] : memref<73x73xf32, #tpu.memory_space<vmem>>, vector<73x73xf32>
      tpu.vector_store %arg11[%swap3A, %swap3A_21], %dot_general3A_9 {strides = array<i32>} : memref<73x73xf32, #tpu.memory_space<vmem>>, vector<73x73xf32>,
    } else {
    }
    %ne3A = arith.constant 0 : i32
    %ne3A_12 = arith.cmpi ne, %arg0, %ne3A : i32
    %convert_element_type3A_13 = arith.extui %ne3A_12 : i1 to i32
    %cond3A_14 = arith.constant 0 : i32
    %cond3A_15 = arith.cmpi ne, %convert_element_type3A_13, %cond3A_14 : i32
    scf.if %cond3A_15 {
      %get3A_21 = arith.constant 0 : index
      %get3A_22 = arith.constant 0 : index
      %get3A_23 = vector.load %arg11[%get3A_21, %get3A_22] : memref<73x73xf32, #tpu.memory_space<vmem>>, vector<73x73xf32>
      %add3A = arith.addf %get3A_23, %dot_general3A_9 : vector<73x73xf32>
      %swap3A = arith.constant 0 : index
      %swap3A_24 = arith.constant 0 : index
      %swap3A_25 = vector.load %arg11[%swap3A, %swap3A_24] : memref<73x73xf32, #tpu.memory_space<vmem>>, vector<73x73xf32>
      tpu.vector_store %arg11[%swap3A, %swap3A_24], %add3A {strides = array<i32>} : memref<73x73xf32, #tpu.memory_space<vmem>>, vector<73x73xf32>,
    } else {
    }
    %eq3A_16 = arith.constant 19 : i32
    %eq3A_17 = arith.cmpi eq, %arg0, %eq3A_16 : i32
    %convert_element_type3A_18 = arith.extui %eq3A_17 : i1 to i32
    %cond3A_19 = arith.constant 0 : i32
    %cond3A_20 = arith.cmpi ne, %convert_element_type3A_18, %cond3A_19 : i32
    scf.if %cond3A_20 {
      %get3A_21 = arith.constant 0 : index
      %get3A_22 = arith.constant 0 : index
      %get3A_23 = vector.load %arg11[%get3A_21, %get3A_22] : memref<73x73xf32, #tpu.memory_space<vmem>>, vector<73x73xf32>
      %broadcast_in_dim3A_24 = arith.constant 0.000000e+00 : f32
      %broadcast_in_dim3A_25 = vector.broadcast %broadcast_in_dim3A_24 : f32 to vector<10x10xf32>
      %get3A_26 = arith.constant 0 : index
      %get3A_27 = arith.constant 0 : index
      %get3A_28 = vector.load %arg8[%get3A_26, %get3A_27] : memref<73x80xf32, #tpu.memory_space<vmem>>, vector<73x10xf32>
      %dot_general3A_29 = arith.constant dense<0.000000e+00> : vector<73x10xf32>
      %dot_general3A_30 = tpu.matmul %get3A_23, %get3A_28, %dot_general3A_29 {dimension_numbers = #tpu.dot_dimension_numbers<[1], [0], [0], [1], [0, 0, 1, 1], [], []>, transpose_lhs_hint = false} : vector<73x73xf32>, vector<73x10xf32>, vector<73x10xf32> -> vector<73x10xf32>
      %dot_general3A_31 = arith.constant dense<0.000000e+00> : vector<10x10xf32>
      %dot_general3A_32 = tpu.matmul %get3A_28, %dot_general3A_30, %dot_general3A_31 {dimension_numbers = #tpu.dot_dimension_numbers<[0], [0], [1], [1], [0, 1, 1, 1], [], []>, transpose_lhs_hint = false} : vector<73x10xf32>, vector<73x10xf32>, vector<10x10xf32> -> vector<10x10xf32>
      %add3A = arith.addf %broadcast_in_dim3A_25, %dot_general3A_32 : vector<10x10xf32>
      %get3A_33 = arith.constant 0 : index
      %get3A_34 = arith.constant 10 : index
      %get3A_35 = vector.load %arg8[%get3A_33, %get3A_34] : memref<73x80xf32, #tpu.memory_space<vmem>>, vector<73x10xf32>
      %dot_general3A_36 = arith.constant dense<0.000000e+00> : vector<73x10xf32>
      %dot_general3A_37 = tpu.matmul %get3A_23, %get3A_35, %dot_general3A_36 {dimension_numbers = #tpu.dot_dimension_numbers<[1], [0], [0], [1], [0, 0, 1, 1], [], []>, transpose_lhs_hint = false} : vector<73x73xf32>, vector<73x10xf32>, vector<73x10xf32> -> vector<73x10xf32>
      %dot_general3A_38 = arith.constant dense<0.000000e+00> : vector<10x10xf32>
      %dot_general3A_39 = tpu.matmul %get3A_35, %dot_general3A_37, %dot_general3A_38 {dimension_numbers = #tpu.dot_dimension_numbers<[0], [0], [1], [1], [0, 1, 1, 1], [], []>, transpose_lhs_hint = false} : vector<73x10xf32>, vector<73x10xf32>, vector<10x10xf32> -> vector<10x10xf32>
      %add3A_40 = arith.addf %add3A, %dot_general3A_39 : vector<10x10xf32>
      %get3A_41 = arith.constant 0 : index
      %get3A_42 = arith.constant 20 : index
      %get3A_43 = vector.load %arg8[%get3A_41, %get3A_42] : memref<73x80xf32, #tpu.memory_space<vmem>>, vector<73x10xf32>
      %dot_general3A_44 = arith.constant dense<0.000000e+00> : vector<73x10xf32>
      %dot_general3A_45 = tpu.matmul %get3A_23, %get3A_43, %dot_general3A_44 {dimension_numbers = #tpu.dot_dimension_numbers<[1], [0], [0], [1], [0, 0, 1, 1], [], []>, transpose_lhs_hint = false} : vector<73x73xf32>, vector<73x10xf32>, vector<73x10xf32> -> vector<73x10xf32>
      %dot_general3A_46 = arith.constant dense<0.000000e+00> : vector<10x10xf32>
      %dot_general3A_47 = tpu.matmul %get3A_43, %dot_general3A_45, %dot_general3A_46 {dimension_numbers = #tpu.dot_dimension_numbers<[0], [0], [1], [1], [0, 1, 1, 1], [], []>, transpose_lhs_hint = false} : vector<73x10xf32>, vector<73x10xf32>, vector<10x10xf32> -> vector<10x10xf32>
      %add3A_48 = arith.addf %add3A_40, %dot_general3A_47 : vector<10x10xf32>
      %get3A_49 = arith.constant 0 : index
      %get3A_50 = arith.constant 30 : index
      %get3A_51 = vector.load %arg8[%get3A_49, %get3A_50] : memref<73x80xf32, #tpu.memory_space<vmem>>, vector<73x10xf32>
      %dot_general3A_52 = arith.constant dense<0.000000e+00> : vector<73x10xf32>
      %dot_general3A_53 = tpu.matmul %get3A_23, %get3A_51, %dot_general3A_52 {dimension_numbers = #tpu.dot_dimension_numbers<[1], [0], [0], [1], [0, 0, 1, 1], [], []>, transpose_lhs_hint = false} : vector<73x73xf32>, vector<73x10xf32>, vector<73x10xf32> -> vector<73x10xf32>
      %dot_general3A_54 = arith.constant dense<0.000000e+00> : vector<10x10xf32>
      %dot_general3A_55 = tpu.matmul %get3A_51, %dot_general3A_53, %dot_general3A_54 {dimension_numbers = #tpu.dot_dimension_numbers<[0], [0], [1], [1], [0, 1, 1, 1], [], []>, transpose_lhs_hint = false} : vector<73x10xf32>, vector<73x10xf32>, vector<10x10xf32> -> vector<10x10xf32>
      %add3A_56 = arith.addf %add3A_48, %dot_general3A_55 : vector<10x10xf32>
      %get3A_57 = arith.constant 0 : index
      %get3A_58 = arith.constant 40 : index
      %get3A_59 = vector.load %arg8[%get3A_57, %get3A_58] : memref<73x80xf32, #tpu.memory_space<vmem>>, vector<73x10xf32>
      %dot_general3A_60 = arith.constant dense<0.000000e+00> : vector<73x10xf32>
      %dot_general3A_61 = tpu.matmul %get3A_23, %get3A_59, %dot_general3A_60 {dimension_numbers = #tpu.dot_dimension_numbers<[1], [0], [0], [1], [0, 0, 1, 1], [], []>, transpose_lhs_hint = false} : vector<73x73xf32>, vector<73x10xf32>, vector<73x10xf32> -> vector<73x10xf32>
      %dot_general3A_62 = arith.constant dense<0.000000e+00> : vector<10x10xf32>
      %dot_general3A_63 = tpu.matmul %get3A_59, %dot_general3A_61, %dot_general3A_62 {dimension_numbers = #tpu.dot_dimension_numbers<[0], [0], [1], [1], [0, 1, 1, 1], [], []>, transpose_lhs_hint = false} : vector<73x10xf32>, vector<73x10xf32>, vector<10x10xf32> -> vector<10x10xf32>
      %add3A_64 = arith.addf %add3A_56, %dot_general3A_63 : vector<10x10xf32>
      %get3A_65 = arith.constant 0 : index
      %get3A_66 = arith.constant 50 : index
      %get3A_67 = vector.load %arg8[%get3A_65, %get3A_66] : memref<73x80xf32, #tpu.memory_space<vmem>>, vector<73x10xf32>
      %dot_general3A_68 = arith.constant dense<0.000000e+00> : vector<73x10xf32>
      %dot_general3A_69 = tpu.matmul %get3A_23, %get3A_67, %dot_general3A_68 {dimension_numbers = #tpu.dot_dimension_numbers<[1], [0], [0], [1], [0, 0, 1, 1], [], []>, transpose_lhs_hint = false} : vector<73x73xf32>, vector<73x10xf32>, vector<73x10xf32> -> vector<73x10xf32>
      %dot_general3A_70 = arith.constant dense<0.000000e+00> : vector<10x10xf32>
      %dot_general3A_71 = tpu.matmul %get3A_67, %dot_general3A_69, %dot_general3A_70 {dimension_numbers = #tpu.dot_dimension_numbers<[0], [0], [1], [1], [0, 1, 1, 1], [], []>, transpose_lhs_hint = false} : vector<73x10xf32>, vector<73x10xf32>, vector<10x10xf32> -> vector<10x10xf32>
      %add3A_72 = arith.addf %add3A_64, %dot_general3A_71 : vector<10x10xf32>
      %get3A_73 = arith.constant 0 : index
      %get3A_74 = arith.constant 60 : index
      %get3A_75 = vector.load %arg8[%get3A_73, %get3A_74] : memref<73x80xf32, #tpu.memory_space<vmem>>, vector<73x10xf32>
      %dot_general3A_76 = arith.constant dense<0.000000e+00> : vector<73x10xf32>
      %dot_general3A_77 = tpu.matmul %get3A_23, %get3A_75, %dot_general3A_76 {dimension_numbers = #tpu.dot_dimension_numbers<[1], [0], [0], [1], [0, 0, 1, 1], [], []>, transpose_lhs_hint = false} : vector<73x73xf32>, vector<73x10xf32>, vector<73x10xf32> -> vector<73x10xf32>
      %dot_general3A_78 = arith.constant dense<0.000000e+00> : vector<10x10xf32>
      %dot_general3A_79 = tpu.matmul %get3A_75, %dot_general3A_77, %dot_general3A_78 {dimension_numbers = #tpu.dot_dimension_numbers<[0], [0], [1], [1], [0, 1, 1, 1], [], []>, transpose_lhs_hint = false} : vector<73x10xf32>, vector<73x10xf32>, vector<10x10xf32> -> vector<10x10xf32>
      %add3A_80 = arith.addf %add3A_72, %dot_general3A_79 : vector<10x10xf32>
      %get3A_81 = arith.constant 0 : index
      %get3A_82 = arith.constant 70 : index
      %get3A_83 = vector.load %arg8[%get3A_81, %get3A_82] : memref<73x80xf32, #tpu.memory_space<vmem>>, vector<73x10xf32>
      %dot_general3A_84 = arith.constant dense<0.000000e+00> : vector<73x10xf32>
      %dot_general3A_85 = tpu.matmul %get3A_23, %get3A_83, %dot_general3A_84 {dimension_numbers = #tpu.dot_dimension_numbers<[1], [0], [0], [1], [0, 0, 1, 1], [], []>, transpose_lhs_hint = false} : vector<73x73xf32>, vector<73x10xf32>, vector<73x10xf32> -> vector<73x10xf32>
      %dot_general3A_86 = arith.constant dense<0.000000e+00> : vector<10x10xf32>
      %dot_general3A_87 = tpu.matmul %get3A_83, %dot_general3A_85, %dot_general3A_86 {dimension_numbers = #tpu.dot_dimension_numbers<[0], [0], [1], [1], [0, 1, 1, 1], [], []>, transpose_lhs_hint = false} : vector<73x10xf32>, vector<73x10xf32>, vector<10x10xf32> -> vector<10x10xf32>
      %add3A_88 = arith.addf %add3A_80, %dot_general3A_87 : vector<10x10xf32>
      %get3A_89 = arith.constant 0 : index
      %get3A_90 = arith.constant 0 : index
      %get3A_91 = vector.load %arg4[%get3A_89, %get3A_90] : memref<9x84xf32, #tpu.memory_space<vmem>>, vector<9x84xf32>
      %get3A_92 = arith.constant 0 : index
      %get3A_93 = arith.constant 0 : index
      %get3A_94 = vector.load %arg5[%get3A_92, %get3A_93] : memref<1x84xf32, #tpu.memory_space<vmem>>, vector<1x84xf32>
      %slice3A = vector.extract_strided_slice %add3A_88 {offsets = [0, 0], sizes = [9, 9], strides = [1, 1]} : vector<10x10xf32> to vector<9x9xf32>
      %slice3A_95 = vector.extract_strided_slice %add3A_88 {offsets = [9, 0], sizes = [1, 9], strides = [1, 1]} : vector<10x10xf32> to vector<1x9xf32>
      %dot_general3A_96 = arith.constant dense<0.000000e+00> : vector<1x84xf32>
      %dot_general3A_97 = tpu.matmul %slice3A_95, %get3A_91, %dot_general3A_96 {dimension_numbers = #tpu.dot_dimension_numbers<[1], [0], [0], [1], [0, 0, 1, 1], [], []>, transpose_lhs_hint = false} : vector<1x9xf32>, vector<9x84xf32>, vector<1x84xf32> -> vector<1x84xf32>
      %dot_general3A_98 = arith.constant dense<0.000000e+00> : vector<9x84xf32>
      %dot_general3A_99 = tpu.matmul %slice3A, %get3A_91, %dot_general3A_98 {dimension_numbers = #tpu.dot_dimension_numbers<[1], [0], [0], [1], [0, 0, 1, 1], [], []>, transpose_lhs_hint = false} : vector<9x9xf32>, vector<9x84xf32>, vector<9x84xf32> -> vector<9x84xf32>
      %mul3A = arith.mulf %get3A_91, %dot_general3A_99 : vector<9x84xf32>
      %reduce_sum3A = arith.constant dense<0.000000e+00> : vector<84xf32>
      %reduce_sum3A_100 = vector.multi_reduction <add>, %mul3A, %reduce_sum3A [0] : vector<9x84xf32> to vector<84xf32>
      %broadcast_in_dim3A_101 = vector.shape_cast %reduce_sum3A_100 : vector<84xf32> to vector<1x84xf32>
      %mul3A_102 = arith.constant 2.000000e+00 : f32
      %mul3A_103 = vector.broadcast %mul3A_102 : f32 to vector<1x84xf32>
      %mul3A_104 = arith.mulf %mul3A_103, %get3A_94 : vector<1x84xf32>
      %mul3A_105 = arith.mulf %mul3A_104, %dot_general3A_97 : vector<1x84xf32>
      %add3A_106 = arith.addf %broadcast_in_dim3A_101, %mul3A_105 : vector<1x84xf32>
      %mul3A_107 = arith.constant 6.400000e+05 : f32
      %mul3A_108 = vector.broadcast %mul3A_107 : f32 to vector<1x84xf32>
      %mul3A_109 = arith.mulf %mul3A_108, %get3A_94 : vector<1x84xf32>
      %mul3A_110 = arith.mulf %mul3A_109, %get3A_94 : vector<1x84xf32>
      %add3A_111 = arith.addf %add3A_106, %mul3A_110 : vector<1x84xf32>
      %mul3A_112 = arith.constant 6.400000e+05 : f32
      %mul3A_113 = vector.broadcast %mul3A_112 : f32 to vector<1x84xf32>
      %mul3A_114 = arith.mulf %mul3A_113, %get3A_94 : vector<1x84xf32>
      %add3A_115 = arith.addf %dot_general3A_97, %mul3A_114 : vector<1x84xf32>
      %div3A = arith.constant 6.400000e+05 : f32
      %div3A_116 = vector.broadcast %div3A : f32 to vector<1x84xf32>
      %div3A_117 = arith.divf %add3A_115, %div3A_116 : vector<1x84xf32>
      %div3A_118 = arith.constant 6.400000e+05 : f32
      %div3A_119 = vector.broadcast %div3A_118 : f32 to vector<1x84xf32>
      %div3A_120 = arith.divf %add3A_111, %div3A_119 : vector<1x84xf32>
      %mul3A_121 = arith.mulf %div3A_117, %div3A_117 : vector<1x84xf32>
      %sub3A = arith.subf %div3A_120, %mul3A_121 : vector<1x84xf32>
      %get3A_122 = arith.constant 0 : index
      %get3A_123 = arith.constant 0 : index
      %get3A_124 = vector.load %arg6[%get3A_122, %get3A_123] : memref<1x84xf32, #tpu.memory_space<vmem>>, vector<1x84xf32>
      %add3A_125 = arith.constant 9.99999974E-6 : f32
      %add3A_126 = vector.broadcast %add3A_125 : f32 to vector<1x84xf32>
      %add3A_127 = arith.addf %sub3A, %add3A_126 : vector<1x84xf32>
      %rsqrt3A = math.rsqrt %add3A_127 : vector<1x84xf32>
      %mul3A_128 = arith.mulf %get3A_124, %rsqrt3A : vector<1x84xf32>
      %sub3A_129 = arith.subf %get3A_94, %div3A_117 : vector<1x84xf32>
      %mul3A_130 = arith.mulf %sub3A_129, %mul3A_128 : vector<1x84xf32>
      %get3A_131 = arith.constant 0 : index
      %get3A_132 = arith.constant 0 : index
      %get3A_133 = vector.load %arg7[%get3A_131, %get3A_132] : memref<1x84xf32, #tpu.memory_space<vmem>>, vector<1x84xf32>
      %add3A_134 = arith.addf %mul3A_130, %get3A_133 : vector<1x84xf32>
      %get3A_135 = arith.constant 0 : index
      %get3A_136 = arith.constant 0 : index
      %get3A_137 = vector.load %arg9[%get3A_135, %get3A_136] : memref<84x672xf32, #tpu.memory_space<vmem>>, vector<84x672xf32>
      %dot_general3A_138 = arith.constant dense<0.000000e+00> : vector<1x672xf32>
      %dot_general3A_139 = tpu.matmul %mul3A_128, %get3A_137, %dot_general3A_138 {dimension_numbers = #tpu.dot_dimension_numbers<[1], [0], [0], [1], [0, 0, 1, 1], [], []>, transpose_lhs_hint = false} : vector<1x84xf32>, vector<84x672xf32>, vector<1x672xf32> -> vector<1x672xf32>
      %swap3A = arith.constant 0 : index
      %swap3A_140 = arith.constant 0 : index
      %swap3A_141 = vector.load %arg10[%swap3A, %swap3A_140] : memref<2x672xf32, #tpu.memory_space<vmem>>, vector<1x672xf32>
      tpu.vector_store %arg10[%swap3A, %swap3A_140], %dot_general3A_139 {strides = array<i32>} : memref<2x672xf32, #tpu.memory_space<vmem>>, vector<1x672xf32>,
      %dot_general3A_142 = arith.constant dense<0.000000e+00> : vector<1x672xf32>
      %dot_general3A_143 = tpu.matmul %add3A_134, %get3A_137, %dot_general3A_142 {dimension_numbers = #tpu.dot_dimension_numbers<[1], [0], [0], [1], [0, 0, 1, 1], [], []>, transpose_lhs_hint = false} : vector<1x84xf32>, vector<84x672xf32>, vector<1x672xf32> -> vector<1x672xf32>
      %swap3A_144 = arith.constant 1 : index
      %swap3A_145 = arith.constant 0 : index
      %swap3A_146 = vector.load %arg10[%swap3A_144, %swap3A_145] : memref<2x672xf32, #tpu.memory_space<vmem>>, vector<1x672xf32>
      tpu.vector_store %arg10[%swap3A_144, %swap3A_145], %dot_general3A_143 {strides = array<i32>} : memref<2x672xf32, #tpu.memory_space<vmem>>, vector<1x672xf32>,
    } else {
    }
    return
  }
  func.func @transform_0(%arg0: i32) -> (i32, i32) {
    %c0_i32 = arith.constant 0 : i32
    %c0_i32_0 = arith.constant 0 : i32
    return %arg0, %c0_i32 : i32, i32
  }
  func.func @transform_1(%arg0: i32) -> (i32, i32) {
    %c0_i32 = arith.constant 0 : i32
    %c0_i32_0 = arith.constant 0 : i32
    return %arg0, %c0_i32 : i32, i32
  }
  func.func @transform_2(%arg0: i32) -> (i32, i32) {
    %c0_i32 = arith.constant 0 : i32
    %c0_i32_0 = arith.constant 0 : i32
    return %arg0, %c0_i32 : i32, i32
  }
  func.func @transform_3(%arg0: i32) -> (i32, i32) {
    %c0_i32 = arith.constant 0 : i32
    %c0_i32_0 = arith.constant 0 : i32
    %c0_i32_1 = arith.constant 0 : i32
    return %c0_i32, %c0_i32_0 : i32, i32
  }
  func.func @transform_4(%arg0: i32) -> (i32, i32) {
    %c0_i32 = arith.constant 0 : i32
    %c0_i32_0 = arith.constant 0 : i32
    %c0_i32_1 = arith.constant 0 : i32
    return %c0_i32, %c0_i32_0 : i32, i32
  }
  func.func @transform_5(%arg0: i32) -> (i32, i32) {
    %c0_i32 = arith.constant 0 : i32
    %c0_i32_0 = arith.constant 0 : i32
    %c0_i32_1 = arith.constant 0 : i32
    return %c0_i32, %c0_i32_0 : i32, i32
  }
  func.func @transform_6(%arg0: i32) -> (i32, i32) {
    %c0_i32 = arith.constant 0 : i32
    %c0_i32_0 = arith.constant 0 : i32
    %c0_i32_1 = arith.constant 0 : i32
    return %c0_i32, %c0_i32_0 : i32, i32
  }
  func.func @transform_7(%arg0: i32) -> (i32, i32) {
    %c0_i32 = arith.constant 0 : i32
    %c0_i32_0 = arith.constant 0 : i32
    %c0_i32_1 = arith.constant 0 : i32
    return %c0_i32, %c0_i32_0 : i32, i32
  }
  func.func @transform_8(%arg0: i32) -> (i32, i32) {
    %c0_i32 = arith.constant 0 : i32
    %c0_i32_0 = arith.constant 0 : i32
    %c0_i32_1 = arith.constant 0 : i32
    return %c0_i32, %c0_i32_0 : i32, i32
  }
  func.func @transform_9(%arg0: i32) -> (i32, i32) {
    %c0_i32 = arith.constant 0 : i32
    %c0_i32_0 = arith.constant 0 : i32
    %c0_i32_1 = arith.constant 0 : i32
    return %c0_i32, %c0_i32_0 : i32, i32
  }
}

module attributes {stable_mosaic.version = 14 : i64} {
  func.func @_main_body(%arg0: i32, %arg1: memref<2x672xf32, #tpu.memory_space<vmem>>, %arg2: memref<32x672xf32, #tpu.memory_space<vmem>>, %arg3: memref<32x672xf32, #tpu.memory_space<vmem>>, %arg4: memref<8x672xf32, #tpu.memory_space<vmem>>, %arg5: memref<2000x32xf32, #tpu.memory_space<vmem>>, %arg6: memref<2000x32xf32, #tpu.memory_space<vmem>>, %arg7: memref<2000x8xf32, #tpu.memory_space<vmem>>, %arg8: memref<2000x672xf32, #tpu.memory_space<vmem>>) attributes {dimension_semantics = [#tpu.dimension_semantics<arbitrary>], iteration_bounds = array<i64: 40>, scalar_prefetch = 0 : i64, scratch_operands = 0 : i64, tpu.core_type = #tpu.core_type<tc>, window_params = [{pipeline_mode = #tpu.pipeline_mode<synchronous>, transform_indices = @transform_0, window_bounds = array<i64: 2, 672>}, {pipeline_mode = #tpu.pipeline_mode<synchronous>, transform_indices = @transform_1, window_bounds = array<i64: 32, 672>}, {pipeline_mode = #tpu.pipeline_mode<synchronous>, transform_indices = @transform_2, window_bounds = array<i64: 32, 672>}, {pipeline_mode = #tpu.pipeline_mode<synchronous>, transform_indices = @transform_3, window_bounds = array<i64: 8, 672>}, {transform_indices = @transform_4, window_bounds = array<i64: 2000, 32>}, {transform_indices = @transform_5, window_bounds = array<i64: 2000, 32>}, {transform_indices = @transform_6, window_bounds = array<i64: 2000, 8>}, {transform_indices = @transform_7, window_bounds = array<i64: 2000, 672>}]} {
    %get3A = arith.constant 0 : index
    %get3A_0 = arith.constant 0 : index
    %get3A_1 = vector.load %arg5[%get3A, %get3A_0] : memref<2000x32xf32, #tpu.memory_space<vmem>>, vector<2000x32xf32>
    %get3A_2 = arith.constant 0 : index
    %get3A_3 = arith.constant 0 : index
    %get3A_4 = vector.load %arg2[%get3A_2, %get3A_3] : memref<32x672xf32, #tpu.memory_space<vmem>>, vector<32x672xf32>
    %dot_general3A = arith.constant dense<0.000000e+00> : vector<2000x672xf32>
    %dot_general3A_5 = tpu.matmul %get3A_1, %get3A_4, %dot_general3A {dimension_numbers = #tpu.dot_dimension_numbers<[1], [0], [0], [1], [0, 0, 1, 1], [], []>, transpose_lhs_hint = false} : vector<2000x32xf32>, vector<32x672xf32>, vector<2000x672xf32> -> vector<2000x672xf32>
    %get3A_6 = arith.constant 0 : index
    %get3A_7 = arith.constant 0 : index
    %get3A_8 = vector.load %arg6[%get3A_6, %get3A_7] : memref<2000x32xf32, #tpu.memory_space<vmem>>, vector<2000x32xf32>
    %get3A_9 = arith.constant 0 : index
    %get3A_10 = arith.constant 0 : index
    %get3A_11 = vector.load %arg3[%get3A_9, %get3A_10] : memref<32x672xf32, #tpu.memory_space<vmem>>, vector<32x672xf32>
    %dot_general3A_12 = arith.constant dense<0.000000e+00> : vector<2000x672xf32>
    %dot_general3A_13 = tpu.matmul %get3A_8, %get3A_11, %dot_general3A_12 {dimension_numbers = #tpu.dot_dimension_numbers<[1], [0], [0], [1], [0, 0, 1, 1], [], []>, transpose_lhs_hint = false} : vector<2000x32xf32>, vector<32x672xf32>, vector<2000x672xf32> -> vector<2000x672xf32>
    %add3A = arith.addf %dot_general3A_5, %dot_general3A_13 : vector<2000x672xf32>
    %get3A_14 = arith.constant 0 : index
    %get3A_15 = arith.constant 0 : index
    %get3A_16 = vector.load %arg7[%get3A_14, %get3A_15] : memref<2000x8xf32, #tpu.memory_space<vmem>>, vector<2000x8xf32>
    %get3A_17 = arith.constant 0 : index
    %get3A_18 = arith.constant 0 : index
    %get3A_19 = vector.load %arg4[%get3A_17, %get3A_18] : memref<8x672xf32, #tpu.memory_space<vmem>>, vector<8x672xf32>
    %dot_general3A_20 = arith.constant dense<0.000000e+00> : vector<2000x672xf32>
    %dot_general3A_21 = tpu.matmul %get3A_16, %get3A_19, %dot_general3A_20 {dimension_numbers = #tpu.dot_dimension_numbers<[1], [0], [0], [1], [0, 0, 1, 1], [], []>, transpose_lhs_hint = false} : vector<2000x8xf32>, vector<8x672xf32>, vector<2000x672xf32> -> vector<2000x672xf32>
    %add3A_22 = arith.addf %add3A, %dot_general3A_21 : vector<2000x672xf32>
    %get3A_23 = arith.constant 0 : index
    %get3A_24 = arith.constant 0 : index
    %get3A_25 = vector.load %arg1[%get3A_23, %get3A_24] : memref<2x672xf32, #tpu.memory_space<vmem>>, vector<1x672xf32>
    %mul3A = vector.broadcast %get3A_25 : vector<1x672xf32> to vector<2000x672xf32>
    %mul3A_26 = arith.mulf %add3A_22, %mul3A : vector<2000x672xf32>
    %get3A_27 = arith.constant 1 : index
    %get3A_28 = arith.constant 0 : index
    %get3A_29 = vector.load %arg1[%get3A_27, %get3A_28] : memref<2x672xf32, #tpu.memory_space<vmem>>, vector<1x672xf32>
    %add3A_30 = vector.broadcast %get3A_29 : vector<1x672xf32> to vector<2000x672xf32>
    %add3A_31 = arith.addf %mul3A_26, %add3A_30 : vector<2000x672xf32>
    %swap3A = arith.constant 0 : index
    %swap3A_32 = arith.constant 0 : index
    %swap3A_33 = vector.load %arg8[%swap3A, %swap3A_32] : memref<2000x672xf32, #tpu.memory_space<vmem>>, vector<2000x672xf32>
    tpu.vector_store %arg8[%swap3A, %swap3A_32], %add3A_31 {strides = array<i32>} : memref<2000x672xf32, #tpu.memory_space<vmem>>, vector<2000x672xf32>,
    return
  }
  func.func @transform_0(%arg0: i32) -> (i32, i32) {
    %c0_i32 = arith.constant 0 : i32
    %c0_i32_0 = arith.constant 0 : i32
    %c0_i32_1 = arith.constant 0 : i32
    return %c0_i32, %c0_i32_0 : i32, i32
  }
  func.func @transform_1(%arg0: i32) -> (i32, i32) {
    %c0_i32 = arith.constant 0 : i32
    %c0_i32_0 = arith.constant 0 : i32
    %c0_i32_1 = arith.constant 0 : i32
    return %c0_i32, %c0_i32_0 : i32, i32
  }
  func.func @transform_2(%arg0: i32) -> (i32, i32) {
    %c0_i32 = arith.constant 0 : i32
    %c0_i32_0 = arith.constant 0 : i32
    %c0_i32_1 = arith.constant 0 : i32
    return %c0_i32, %c0_i32_0 : i32, i32
  }
  func.func @transform_3(%arg0: i32) -> (i32, i32) {
    %c0_i32 = arith.constant 0 : i32
    %c0_i32_0 = arith.constant 0 : i32
    %c0_i32_1 = arith.constant 0 : i32
    return %c0_i32, %c0_i32_0 : i32, i32
  }
  func.func @transform_4(%arg0: i32) -> (i32, i32) {
    %c0_i32 = arith.constant 0 : i32
    %c0_i32_0 = arith.constant 0 : i32
    return %arg0, %c0_i32 : i32, i32
  }
  func.func @transform_5(%arg0: i32) -> (i32, i32) {
    %c0_i32 = arith.constant 0 : i32
    %c0_i32_0 = arith.constant 0 : i32
    return %arg0, %c0_i32 : i32, i32
  }
  func.func @transform_6(%arg0: i32) -> (i32, i32) {
    %c0_i32 = arith.constant 0 : i32
    %c0_i32_0 = arith.constant 0 : i32
    return %arg0, %c0_i32 : i32, i32
  }
  func.func @transform_7(%arg0: i32) -> (i32, i32) {
    %c0_i32 = arith.constant 0 : i32
    %c0_i32_0 = arith.constant 0 : i32
    return %arg0, %c0_i32 : i32, i32
  }
}

</mosaic_0001>

<sc_bundles>
// kernel: sparse-core-data-format-call.cloned.1.call-start
scs
called_computation_lowered:
.L_overlay_start_0:
0x0: {  	s2 =	sld [smem:$0x3FD9]  }
0x1: {  	s3 =	sld [smem:$0x3FFE];
	_ =	sdelay $0x1  }
0x2: {  	s1 =	srdreg.scid  }
0x3: {  	s0 =	sand.u32 $0x1, s1  }
0x4: {  	s18 =	sshll.u32 s0, $0xA;
	s2 =	sadd.s32 s3, s2  }
0x5: {  	s2 =	sadd.s32 s2, s18  }
0x6: {  	[smem:$0x3FC1] =	sst s2  }
0x7: {  	_ = 	snop  }
0x8: {  	s2 =	sld [smem:$0x3FD0];
	(tm) =	ssettm $0x1  }
0x9: {  	s19 =	sld [smem:$0x3FFB];
	_ =	sdelay $0x3  }
0xa: {  	_ =	strace s19  }
0xb: {  	s3 =	sld [smem:$0x3FFC];
	_ =	sdelay $0x3  }
0xc: {  	_ =	strace s3  }
0xd: {  	s3 =	sld [smem:$0x3FFD];
	_ =	sdelay $0x3  }
0xe: {  	_ =	strace s3  }
0xf: {  	_ =	strace $0x8FFFFFFF  }
0x10: {  	s20 =	sld [smem:$0x3FDB];
	_ =	sdelay $0x1  }
0x11: {  	s4 =	simm.s32 $_scs_section_size  }
0x12: {  	s5 =	simm.s32 $_size__tile_overlayer_lowered;
	s6 =	simm.s32 $_tile_overlayer_lowered  }
0x13: {  	s23 =	simm.s32 $0x1BFF;
	s22 =	sshll.u32 s6, $0x1;
	s3 =	sadd.s32 s4, s20  }
0x14: {  	s7 =	simm.s32 $0x0;
	s21 =	sshll.u32 s5, $0x1;
	s5 =	sadd.s32 s22, s3  }
0x15: {  	[timem:s7], [sflag:s23] =	dma.local [hbm:s5], s21  }
0x16: {  	_ =	swait.ge [sflag:s23], s21  }
0x17: {  	s4 =	ssub.s32 $0x0, s21;
	[sflag:s23] =	ssyncset.done $0x0  }
0x18: {  	[sflag:s23] =	ssyncadd.s32 s4;
	_ =	sdelay $0x1  }
0x19: {  	s24 =	simm.s32 $0x1B8B  }
0x1a: {  	_ =	swait.ge [sflag:s24], $0x1  }
0x1b: {  	[sflag:s24] =	ssyncset.done $0x0  }
0x1c: {  	s26 =	simm.s32 $0x1B8E;
	s25 =	sld [smem:$0x3FFE];
	[sflag:s24] =	ssyncadd.s32 $0xFFFFFFFF  }
0x1d: {  	s27 =	simm.s32 $execute0_lowered;
	[smem:$0x3FD2] =	sst s26  }
0x1e: {  	s5 =	sshll.u32 s27, $0x1;
	_ =	strace $0x80000046;
	[dreg:$0x1] =	wrdreg $0xFFFFFFFF  }
0x1f: {  	s28 =	simm.s32 $_size_execute0_lowered;
	s3 =	sadd.s32 s3, s5;
	[dreg:$0x0] =	wrdreg $0x0  }
0x20: {  	s5 =	sshll.u32 s28, $0x1;
	[dreg:$0x2] =	wrdreg s3  }
0x21: {  	[dreg:$0x3] =	wrdreg s5  }
0x22: {  	[dreg:$0x4] =	wrdreg $0xC0  }
0x23: {  	_ =	task [dreg:s7], $0x5FFFF  }
0x24: {  	[dreg:$0x1] =	wrdreg $0xFFFFFFFF  }
0x25: {  	[dreg:$0x0] =	wrdreg $0x60  }
0x26: {  	[dreg:$0x2] =	wrdreg s25  }
0x27: {  	[dreg:$0x3] =	wrdreg s2  }
0x28: {  	[dreg:$0x4] =	wrdreg $0x9  }
0x29: {  	_ =	task.clear_ibuf [dreg:s7], $0x5FFFF;
	_ =	strace $0x90000046  }
0x2a: {  	s29 =	simm.s32 $0x9;
	_ =	strace $0x80000048  }
0x2b: {  	_ =	swait.ge [sflag:s29], $0x1  }
0x2c: {  	[sflag:s29] =	ssyncadd.s32 $0xFFFFFFFF  }
0x2d: {  	_ =	strace $0x90000048  }
0x2e: {  	_ =	sfence  }
0x2f: {  	s30 =	sld [smem:$0x0];
	_ =	sdelay $0x2  }
0x30: {  	s31 =	sshll.u32 s1, $0xD;
	s1 =	sshrl.u32 s1, $0x2  }
0x31: {  	s3 =	sand.u32 $0x4000, s31;
	s1 =	sadd.s32 s1, s30  }
0x32: {  	s0 =	sor.u32 s3, s0;
	s1 =	sshll.u32 s1, $0x11  }
0x33: {  	s0 =	sor.u32 s1, s0  }
0x34: {  	s0 =	sadd.s32 $0x8F2B, s0  }
0x35: {  	[sflag:s0] =	ssyncadd.remote.s32 $0x1  }
0x36: {  	_ =	sfence.sel $0xFFFF  }
0x37: {  	[dreg:$0x0] =	wrdreg $0xFFFFFFFF;
	(pc) =	sbr.abs _section_cstart, $3  }
0x38: {  	[dreg:$0x1] =	wrdreg $0xFFFFFFFF  }
0x39: {  	_ =	task.clear_ibuf [dreg:s7], $0x2FFFF;
	_ =	strace $0x9FFFFFFF  }
0x3a: {  	(tm) =	ssettm $0x7FFFFFFF  }
0x3b: {  	_ =	shalt  }
tec
execute0_lowered:
.L_overlay_start_1:
0x0: {  	(tag) =	ssettag $0x1  }
0x1: {  	s0 =	srdreg.scid  }
0x2: {  	s5 =	rddreg [dreg:$0x0];
	s1 =	sshll.u32 s0, $0x4  }
0x3: {  	s2 =	rddreg [dreg:$0x1];
	s0 =	stileid.u32;
	s1 =	sand.u32 $0x10, s1  }
0x4: {  	s4 =	simm.s32 $0x1;
	s8 =	simm.s32 $0x2;
	s1 =	sor.u32 s0, s1  }
0x5: {  	s12 =	simm.s32 $0x0;
	s9 =	simm.s32 $0x0;
	s3 =	sshll.u32 s1, $0x7  }
0x6: {  	s11 =	simm.s32 $0x0;
	s5 =	sadd.s32 $0x891E00, s5;
	s6 =	ssub.s32 $0x9C400, s3  }
.Ltmp0:
0x7: {  	s1 =	rddreg [dreg:$0x2];
	s7 =	sand.u32 $0xF80, s6;
	(pc) =	sbr.rel .LBB1_1-.Ltmp0, $4  }
0x8: {  	_ =	strace $0x80000047;
	p0 =	sne.s32 s7, $0x0;
	s7 =	simm.s32 $0x1  }
0x9: {  	[sflag:s4] =	ssyncpa.u1 $0x0;
	s6 =	sshrl.u32 s6, $0xC;
	s7 =	simm.s32 @!p0 $0x0  }
0xa: {  	s10 =	smov.u32 s3;
	[sflag:s8] =	ssyncpa.u1 $0x0;
	s6 =	sadd.s32 s7, s6  }
0xb: {  	s8 =	simm.s32 $0x4E2000;
	p0 =	por $0x0, $0x0;
	s7 =	sadd.s32 $0x1, s6  }
.LBB1_4:
0xc: {  	s18 =	sshll.u32 s9, $0x3  }
0xd: {  	s19 =	sand.u32 $0x7F, s9;
	s20 =	sand.u32 $0xFFFFFC00, s18;
	s18 =	smulhi.u32 $0xD1B71759, s18  }
0xe: {  	v5 =	vld [tilespmem:s14+$0xFFFFFFD0];
	[tilespmem:s16+$0x2040 ss:$0x81] =	vst.msk $0xffff, v3;
	s19 =	sor.u32 s19, s20  }
0xf: {  	v58 =	vld [tilespmem:s14+$0xFFFFFFE0];
	[tilespmem:s16+$0x2850 ss:$0x81] =	vst.msk $0xffff, v4;
	s20 =	smulhi.u32 $0xD1B71759, s19;
	s18 =	sshrl.u32 s18, $0x13  }
0x10: {  	s17 =	sshra.s32 s17, $0x2;
	v59 =	vld [tilespmem:s14+$0xFFFFFFF0];
	[tilespmem:s16+$0x3060 ss:$0x81] =	vst.msk $0xffff, v2;
	p1 =	sgt.s32 s9, $0x9C380;
	s21 =	smul.u32 $0xBA3, s18  }
0x11: {  	v60 =	vld [tilespmem:s14+$0x0];
	[tilespmem:s16+$0x0 ss:$0x81] =	vst.msk $0xffff, v0;
	s26 =	sshra.s32 s9, $0x1F;
	s15 =	sadd.s32 s17, s15;
	s20 =	sshrl.u32 s20, $0x13  }
0x12: {  	v61 =	vld [tilespmem:s14+$0x10];
	[tilespmem:s15+$0x3870 ss:$0x81] =	vst.msk $0xffff, v1;
	s24 =	smul.u32 $0x9C400, s20;
	s25 =	sshrl.u32 s21, $0x12;
	s20 =	smov.u32 s9  }
0x13: {  	v62 =	vld [tilespmem:s14+$0x20];
	[tilespmem:s15+$0x810 ss:$0x81] =	vst.msk $0xffff, v5;
	s21 =	sand.u32 s26, s9;
	s17 =	smul.u32 $0x58, s25;
	s20 =	simm.s32 @!p1 $0x9C380  }
0x14: {  	v63 =	vld [tilespmem:s14+$0xFFFFFFC0];
	[tilespmem:s15+$0x1020 ss:$0x81] =	vst.msk $0xffff, v58;
	s27 =	ssub.s32 s19, s24;
	s28 =	ssub.s32 s20, s21  }
0x15: {  	[tilespmem:s15+$0x1830 ss:$0x81] =	vst.msk $0xffff, v59;
	s17 =	ssub.s32 s18, s17;
	s29 =	sadd.s32 $0xFFF63C80, s28;
	s16 =	ssub.s32 $0x9C400, s28  }
0x16: {  	[tilespmem:s15+$0x2040 ss:$0x81] =	vst.msk $0xffff, v60;
	s30 =	sshrl.u32 s27, $0x3;
	s17 =	sand.u32 $0xFFFF, s17;
	s16 =	smul.u32 $0x160, s16  }
0x17: {  	[tilespmem:s15+$0x2850 ss:$0x81] =	vst.msk $0xffff, v61;
	s14 =	sand.u32 $0x7, s27;
	p1 =	sgt.s32 s29, $0x7F;
	s17 =	smul.u32 $0x13880, s17  }
0x18: {  	[tilespmem:s15+$0x3060 ss:$0x81] =	vst.msk $0xffff, v62;
	s18 =	sadd.s32 s2, s30;
	s14 =	sshll.u32 s14, $0x12;
	s16 =	sshrl.u32 s16, $0x2  }
0x19: {  	[tilespmem:s15+$0x0 ss:$0x81] =	vst.msk $0xffff, v63;
	s14 =	sor.u32 $0x400, s14;
	s16 =	simm.s32 @p1 $0x0;
	s31 =	sadd.s32 s17, s18  }
0x1a: {  	[hbm4b:s31+s14] =	stream.strided.scatter [tilespmem:s13], [sflag:$0x2], s16, s8, s14, $0x20;
	[tilespmem:$0x10100] =	vst v63  }
.LBB1_5:
0x1b: {  	p1 =	slt.u32 s11, $0x2  }
0x1c: {  	p2 =	sgt.s32 @!p1 s12, $0x9C380  }
0x1d: {  	s13 =	smov.u32 s12;
	s14 =	sshra.s32 @!p1 s12, $0x1F;
	p2 =	por !p2, p1  }
0x1e: {  	s12 =	sand.u32 @!p1 s14, s12;
	s13 =	simm.s32 @p2 $0x9C380  }
0x1f: {  	s12 =	ssub.s32 @!p1 s13, s12  }
0x20: {  	s13 =	ssub.s32 @!p1 $0x9C400, s12  }
0x21: {  	s12 =	sadd.s32 @!p1 $0xFFF63C80, s12;
	s13 =	smul.u32 @!p1 $0x160, s13  }
0x22: {  	p2 =	sgt.s32 @!p1 s12, $0x7F  }
0x23: {  	s14 =	sadd.s32 $0x1000, s10;
	p2 =	por !p2, p1;
	s12 =	sshrl.u32 @!p1 s13, $0x2  }
0x24: {  	s12 =	simm.s32 @!p2 $0x0;
	p2 =	sgt.s32 s14, $0x9C3FF  }
0x25: {  	s14 =	smov.u32 @p2 s3;
	p2 =	sne.s32 s11, s7  }
.Ltmp1:
0x26: {  	_ = 	snop;
	(pc) =	sbr.rel @!p2 .LBB1_6-.Ltmp1, $4  }
0x27: {  	s13 =	simm.s32 @!p1 $0x2  }
0x28: {  	p0 =	por !p0, !p0;
	_ =	swait.ge @!p1 [sflag:s13], s12;
	s15 =	ssub.s32 @!p1 $0x0, s12  }
0x29: {  	s12 =	smov.u32 s9;
	s11 =	sadd.s32 $0x1, s11;
	[sflag:s13] =	ssyncset.done @!p1 $0x0  }
0x2a: {  	s9 =	smov.u32 s10;
	s10 =	smov.u32 s14;
	[sflag:s13] =	ssyncadd.s32 @!p1 s15  }
.LBB1_1:
0x2b: {  	p1 =	sge.u32 s11, s6  }
0x2c: {  	s13 =	sand.u32 @!p1 $0x1FFFFFF, s10  }
0x2d: {  	s14 =	smulhi.u32 @!p1 $0x1A36E2F, s13;
	_ =	sdelay $0x1  }
0x2e: {  	s14 =	sshrl.u32 @!p1 s14, $0xC  }
0x2f: {  	s14 =	smul.u32 @!p1 $0x9C400, s14;
	_ =	sdelay $0x1  }
0x30: {  	s15 =	sxor.u32 @!p1 $0xFFFFFFFF, s11;
	s13 =	ssub.s32 @!p1 s13, s14  }
0x31: {  	s31 =	sadd.s32 $0xFFFFFFFF, s11;
	s14 =	sshll.u32 @!p1 s15, $0xE;
	s13 =	sshll.u32 @!p1 s13, $0x4  }
0x32: {  	s15 =	simm.s32 @!p1 $0x0;
	s14 =	sand.u32 @!p1 $0x4000, s14;
	s13 =	sadd.s32 @!p1 s5, s13  }
0x33: {  	[tilespmem:s14], [sflag:$0x1] =	stream.linear.gather @!p1 [hbm4b:s13+s15], $0x4000, $0x38;
	[tilespmem:$0x10100] =	vst v63  }
0x34: {  	p1 =	sge.u32 s31, s6  }
.Ltmp2:
0x35: {  	_ = 	snop;
	(pc) =	sbr.rel @p1 .LBB1_5-.Ltmp2, $1  }
0x36: {  	_ =	sdelay $0x3  }
0x37: {  	s13 =	simm.s32 $0x1  }
0x38: {  	_ =	swait.ge [sflag:s4], $0x4000;
	s13 =	simm.s32 @!p0 $0x0  }
0x39: {  	[sflag:s4] =	ssyncset.done $0x0;
	s14 =	sshll.u32 s13, $0xE  }
0x3a: {  	[sflag:s4] =	ssyncadd.s32 $0xFFFFC000;
	s14 =	sor.u32 $0x40, s14  }
0x3b: {  	s13 =	smul.u32 $0x10200, s13;
	v0 =	vld [tilespmem:s14+$0x30]  }
0x3c: {  	v1 =	vld [tilespmem:s14+$0xFFFFFFD0]  }
0x3d: {  	s13 =	sshrl.u32 s13, $0x2;
	v5 =	vld [tilespmem:s14+$0xFFFFFFE0]  }
0x3e: {  	v6 =	vld [tilespmem:s14+$0xFFFFFFF0];
	s15 =	sor.u32 $0x8000, s13  }
0x3f: {  	s31 =	sand.u32 $0x1, s11;
	v3 =	vld [tilespmem:s14+$0x0];
	s16 =	sadd.s32 $0x0, s15  }
0x40: {  	v4 =	vld [tilespmem:s14+$0x10];
	s13 =	smul.u32 $0x10200, s31;
	[tilespmem:s16+$0x3870 ss:$0x81] =	vst.msk $0xffff, v0  }
0x41: {  	v2 =	vld [tilespmem:s14+$0x20];
	[tilespmem:s16+$0x810 ss:$0x81] =	vst.msk $0xffff, v1  }
0x42: {  	s13 =	sshrl.u32 s13, $0x2;
	v0 =	vld [tilespmem:s14+$0xFFFFFFC0];
	[tilespmem:s16+$0x1020 ss:$0x81] =	vst.msk $0xffff, v5;
	s14 =	sadd.s32 $0x80, s14  }
0x43: {  	s17 =	simm.s32 $0x4;
	s18 =	simm.s32 $0x8;
	s13 =	sor.u32 $0x8000, s13;
	[tilespmem:s16+$0x1830 ss:$0x81] =	vst.msk $0xffff, v6;
	v1 =	vld [tilespmem:s14+$0x30]  }
.LBB1_3:
0x44: {  	p1 =	sne.s32 s18, $0x1FC;
	v5 =	vld [tilespmem:s14+$0xFFFFFFD0];
	[tilespmem:s16+$0x2040 ss:$0x81] =	vst.msk $0xffff, v3  }
0x45: {  	v6 =	vld [tilespmem:s14+$0xFFFFFFE0];
	[tilespmem:s16+$0x2850 ss:$0x81] =	vst.msk $0xffff, v4  }
0x46: {  	s19 =	sshra.s32 s17, $0x2;
	s17 =	smov.u32 s18;
	v7 =	vld [tilespmem:s14+$0xFFFFFFF0];
	[tilespmem:s16+$0x3060 ss:$0x81] =	vst.msk $0xffff, v2  }
.Ltmp3:
0x47: {  	v3 =	vld [tilespmem:s14+$0x0];
	[tilespmem:s16+$0x0 ss:$0x81] =	vst.msk $0xffff, v0;
	s16 =	sadd.s32 s19, s15;
	(pc) =	sbr.rel @p1 .LBB1_3-.Ltmp3, $4  }
0x48: {  	v4 =	vld [tilespmem:s14+$0x10];
	[tilespmem:s16+$0x3870 ss:$0x81] =	vst.msk $0xffff, v1  }
0x49: {  	[tilespmem:s16+$0x810 ss:$0x81] =	vst.msk $0xffff, v5;
	v2 =	vld [tilespmem:s14+$0x20]  }
0x4a: {  	v0 =	vld [tilespmem:s14+$0xFFFFFFC0];
	[tilespmem:s16+$0x1020 ss:$0x81] =	vst.msk $0xffff, v6;
	s14 =	sadd.s32 $0x80, s14  }
0x4b: {  	s18 =	sadd.s32 $0x4, s18;
	v1 =	vld [tilespmem:s14+$0x30];
	[tilespmem:s16+$0x1830 ss:$0x81] =	vst.msk $0xffff, v7  }
.Ltmp4:
0x4c: {  	_ = 	snop;
	(pc) =	sbr.rel .LBB1_4-.Ltmp4, $1  }
0x4d: {  	_ =	sdelay $0x3  }
.LBB1_6:
0x4e: {  	_ =	sfence.sel $0x180000  }
0x4f: {  	s2 =	simm.s32 $0x1;
	[bflag:$0x0] =	sbarrier.arrive $0xFFFF  }
0x50: {  	s31 =	simm.s32 $0x2;
	[sflag:s2] =	ssyncpa.u1 $0x1  }
0x51: {  	[sflag:s31] =	ssyncpa.u1 $0x1  }
0x52: {  	p0 =	sne.s32 s0, $0x0;
	_ =	strace $0x90000047  }
0x53: {  	s0 =	sadd.s32 @!p0 $0x100000, s1;
	[bflag:$0x2] =	sbarrier.arrive $0xFFFF  }
0x54: {  	[sflag:s0] =	ssyncadd.tile.s32 @!p0 $0x1;
	_ =	shalt  }
.Lfunc_end1:
_tile_overlayer_lowered:
.L_overlay_start_2:
0x55: {  	(tag) =	ssettag $0x2  }
0x56: {  	s0 =	rddreg [dreg:$0x0];
	s2 =	stileid.u32  }
0x57: {  	s1 =	rddreg [dreg:$0x1];
	p0 =	sne.s32 s2, $0x0  }
0x58: {  	s3 =	rddreg [dreg:$0x2];
	[bflag:$0x3] =	sbarrier.arrive $0xFFFF;
	s2 =	simm.s32 @!p0 $0x1C01  }
0x59: {  	[timem:s3], [sflag:s2] =	dma.local @!p0 [hbm:s0], s1  }
0x5a: {  	s0 =	simm.s32 @!p0 $0x1  }
0x5b: {  	_ =	swait.ge @!p0 [sflag:s0], s1  }
0x5c: {  	s1 =	ssub.s32 @!p0 $0x0, s1;
	[sflag:s0] =	ssyncset.done @!p0 $0x0  }
0x5d: {  	[sflag:s0] =	ssyncadd.s32 @!p0 s1  }
0x5e: {  	[bflag:$0x3] =	sbarrier.arrive $0xFFFF  }
0x5f: {  	_ =	shalt  }

</sc_bundles>
